<compile_context>
chip_gen: v7x
topology: tpu7x:2x2x1
jax: 0.10.2.dev20260603
libtpu: 0.0.44.dev20260713+nightly
codegen_flags: <defaults>
</compile_context>

<pallas_src>
import functools

import jax
import jax.numpy as jnp
from jax import lax
from jax.experimental import pallas as pl
from jax.experimental.pallas import tpu as pltpu
from jax.experimental.pallas import tpu_sc as plsc

_WORD_LEN = 5
_EMBED_DIM = 128
_LANES = 16

_mesh = plsc.VectorSubcoreMesh(core_axis_name="c", subcore_axis_name="s",
                               num_cores=1, num_subcores=1)


@functools.partial(
    pl.kernel,
    out_type=jax.ShapeDtypeStruct((_EMBED_DIM,), jnp.float32),
    mesh=_mesh,
    scratch_types=[
        pltpu.VMEM((_WORD_LEN,), jnp.int32),
        pltpu.VMEM((_WORD_LEN, _EMBED_DIM), jnp.float32),
        pltpu.VMEM((_WORD_LEN, _EMBED_DIM), jnp.float32),
        pltpu.VMEM((_EMBED_DIM,), jnp.float32),
        pltpu.SemaphoreType.DMA,
    ],
)
def _word_encoder(word_hbm, table_hbm, pos_hbm, out_hbm,
                  idx_v, rows_v, pos_v, acc_v, sem):
    pos_cp = pltpu.async_copy(pos_hbm, pos_v, sem)
    pltpu.sync_copy(word_hbm, idx_v)
    gather = pltpu.async_copy(table_hbm.at[idx_v], rows_v, sem)
    gather.wait()
    pos_cp.wait()

    def chunk(c, carry):
        s = pl.ds(c * _LANES, _LANES)
        acc = rows_v[0, s] + pos_v[0, s]
        for j in range(1, _WORD_LEN):
            acc = acc + rows_v[j, s] + pos_v[j, s]
        acc_v[s] = acc
        return carry

    lax.fori_loop(0, _EMBED_DIM // _LANES, chunk, 0)
    pltpu.sync_copy(acc_v, out_hbm)


def kernel(word, letter_table, pos_table):
    return _word_encoder(word, letter_table, pos_table)

# --- scband reference (transcript-rebuilt; emitter-appended) ---
"""Pipeline reference for scband-word-encoder-76751065579708 (READ-ONLY COPY).

The authoritative reference and input builder live on the scoring server;
editing this copy changes nothing except your own understanding.
"""

import jax, jax.numpy as jnp
import numpy as np

VOCAB = 1000000
EMBED_DIM = 128
WORD_LEN = 5

def setup_inputs(seed: int = 0) -> dict:
    key = jax.random.key(seed)
    k_word, k_table, k_pos = jax.random.split(key, 3)
    word = jax.random.randint(k_word, (WORD_LEN,), 0, VOCAB, dtype=jnp.int64 if jax.config.read('jax_enable_x64') else jnp.int32).astype(jnp.int32)
    letter_table = jax.random.normal(k_table, (VOCAB, EMBED_DIM), dtype=jnp.float32)
    pos_table = jax.random.normal(k_pos, (WORD_LEN, EMBED_DIM), dtype=jnp.float32)
    return {"word": word, "letter_table": letter_table, "pos_table": pos_table}

def reference(word, letter_table, pos_table):
    # letter_embeds = stack([letter_encoder(c) for c in word]) -> a batched gather
    letter_embeds = jnp.take(letter_table, word, axis=0)  # [5, 128]
    position_ids = jnp.arange(WORD_LEN)
    pos_embeds = jnp.take(pos_table, position_ids, axis=0)  # [5, 128]
    embeddings = letter_embeds + pos_embeds
    word_embed = embeddings.sum(axis=0)  # [128]
    return word_embed

if __name__ == "__main__":
    import jax
    _d = setup_inputs()
    print(jax.jit(kernel)(*tuple(_d.values())))

</pallas_src>

<mosaic_0001>
#map = affine_map<(d0, d1) -> (0)>
#map1 = affine_map<(d0, d1) -> (0, 0)>
module attributes {stable_mosaic.version = 14 : i64} {
  func.func @_word_encoder(%arg0: i32, %arg1: i32, %arg2: memref<5xi32, #tpu.memory_space<hbm>>, %arg3: memref<1000000x128xf32, #tpu.memory_space<hbm>>, %arg4: memref<5x128xf32, #tpu.memory_space<hbm>>, %arg5: memref<128xf32, #tpu.memory_space<hbm>>, %arg6: memref<5xi32, #tpu.memory_space<vmem>>, %arg7: memref<5x128xf32, #tpu.memory_space<vmem>>, %arg8: memref<5x128xf32, #tpu.memory_space<vmem>>, %arg9: memref<128xf32, #tpu.memory_space<vmem>>, %arg10: memref<!tpu.dma_semaphore, #tpu.memory_space<semaphore_mem>>) attributes {dimension_semantics = [#tpu.dimension_semantics<core_parallel>, #tpu.dimension_semantics<subcore_parallel>], iteration_bounds = array<i64: 1, 1>, scalar_prefetch = 0 : i64, scratch_operands = 5 : i64, tpu.core_type = #tpu.core_type<sc_vector_subcore>, window_params = [{transform_indices = #map}, {transform_indices = #map1}, {transform_indices = #map1}, {transform_indices = #map}]} {
    tpu.enqueue_dma source(%arg4 : memref<5x128xf32, #tpu.memory_space<hbm>>) target(%arg8 : memref<5x128xf32, #tpu.memory_space<vmem>>) target_semaphore(%arg10 : memref<!tpu.dma_semaphore, #tpu.memory_space<semaphore_mem>>)
    "tpu.region"() ({
      %run_scoped3A = tpu.sem_alloc : memref<!tpu.dma_semaphore, #tpu.memory_space<semaphore_mem>>
      tpu.enqueue_dma source(%arg2 : memref<5xi32, #tpu.memory_space<hbm>>) target(%arg6 : memref<5xi32, #tpu.memory_space<vmem>>) target_semaphore(%run_scoped3A : memref<!tpu.dma_semaphore, #tpu.memory_space<semaphore_mem>>)
      tpu.wait_dma2 semaphore(%run_scoped3A : memref<!tpu.dma_semaphore, #tpu.memory_space<semaphore_mem>>) src(%arg2 : memref<5xi32, #tpu.memory_space<hbm>>) dst(%arg6 : memref<5xi32, #tpu.memory_space<vmem>>)
      tpu.yield
    }) : () -> ()
    %dma_start3A = arith.constant 0 : i32
    %dma_start3A_0 = arith.constant 0 : i32
    %dma_start3A_1 = tpu.memref_slice %arg3[%dma_start3A, %dma_start3A_0] : memref<1000000x128xf32, #tpu.memory_space<hbm>> -> memref<1000000x128xf32, #tpu.memory_space<hbm>>
    tpu.enqueue_indirect_dma source(%dma_start3A_1 : memref<1000000x128xf32, #tpu.memory_space<hbm>>) target(%arg7 : memref<5x128xf32, #tpu.memory_space<vmem>>) offsets(%arg6 : memref<5xi32, #tpu.memory_space<vmem>>) semaphore(%arg10 : memref<!tpu.dma_semaphore, #tpu.memory_space<semaphore_mem>>)
    %dma_wait3A = arith.constant 0 : i32
    %dma_wait3A_2 = arith.constant 0 : i32
    %dma_wait3A_3 = tpu.memref_slice %arg3[%dma_wait3A, %dma_wait3A_2] : memref<1000000x128xf32, #tpu.memory_space<hbm>> -> memref<1000000x128xf32, #tpu.memory_space<hbm>>
    tpu.wait_indirect_dma semaphore(%arg10 : memref<!tpu.dma_semaphore, #tpu.memory_space<semaphore_mem>>) src(%dma_wait3A_3 : memref<1000000x128xf32, #tpu.memory_space<hbm>>) dst(%arg7 : memref<5x128xf32, #tpu.memory_space<vmem>>)
    tpu.wait_dma2 semaphore(%arg10 : memref<!tpu.dma_semaphore, #tpu.memory_space<semaphore_mem>>) src(%arg4 : memref<5x128xf32, #tpu.memory_space<hbm>>) dst(%arg8 : memref<5x128xf32, #tpu.memory_space<vmem>>)
    %scan3A = arith.constant 0 : i32
    %scan3A_4 = arith.constant 0 : i32
    %scan3A_5 = arith.constant 8 : i32
    %scan3A_6 = arith.addi %scan3A_4, %scan3A_5 : i32
    %scan3A_7 = arith.constant 1 : i32
    scf.for %scan3A_9 = %scan3A_4 to %scan3A_6 step %scan3A_7  : i32 {
      %mul3A = arith.constant 16 : i32
      %mul3A_10 = arith.muli %scan3A_9, %mul3A : i32
      %get3A = arith.constant 0 : i32
      %get3A_11 = arith.index_cast %get3A : i32 to index
      %get3A_12 = arith.index_cast %mul3A_10 : i32 to index
      %get3A_13 = tpu.vector_load %arg7[%get3A_11, %get3A_12] {strides = array<i32>} : memref<5x128xf32, #tpu.memory_space<vmem>>, vector<1x16xf32>,
      %get3A_14 = vector.shape_cast %get3A_13 : vector<1x16xf32> to vector<16xf32>
      %get3A_15 = arith.constant 0 : i32
      %get3A_16 = arith.index_cast %get3A_15 : i32 to index
      %get3A_17 = arith.index_cast %mul3A_10 : i32 to index
      %get3A_18 = tpu.vector_load %arg8[%get3A_16, %get3A_17] {strides = array<i32>} : memref<5x128xf32, #tpu.memory_space<vmem>>, vector<1x16xf32>,
      %get3A_19 = vector.shape_cast %get3A_18 : vector<1x16xf32> to vector<16xf32>
      %add3A = arith.addf %get3A_14, %get3A_19 : vector<16xf32>
      %get3A_20 = arith.constant 1 : i32
      %get3A_21 = arith.index_cast %get3A_20 : i32 to index
      %get3A_22 = arith.index_cast %mul3A_10 : i32 to index
      %get3A_23 = tpu.vector_load %arg7[%get3A_21, %get3A_22] {strides = array<i32>} : memref<5x128xf32, #tpu.memory_space<vmem>>, vector<1x16xf32>,
      %get3A_24 = vector.shape_cast %get3A_23 : vector<1x16xf32> to vector<16xf32>
      %add3A_25 = arith.addf %add3A, %get3A_24 : vector<16xf32>
      %get3A_26 = arith.constant 1 : i32
      %get3A_27 = arith.index_cast %get3A_26 : i32 to index
      %get3A_28 = arith.index_cast %mul3A_10 : i32 to index
      %get3A_29 = tpu.vector_load %arg8[%get3A_27, %get3A_28] {strides = array<i32>} : memref<5x128xf32, #tpu.memory_space<vmem>>, vector<1x16xf32>,
      %get3A_30 = vector.shape_cast %get3A_29 : vector<1x16xf32> to vector<16xf32>
      %add3A_31 = arith.addf %add3A_25, %get3A_30 : vector<16xf32>
      %get3A_32 = arith.constant 2 : i32
      %get3A_33 = arith.index_cast %get3A_32 : i32 to index
      %get3A_34 = arith.index_cast %mul3A_10 : i32 to index
      %get3A_35 = tpu.vector_load %arg7[%get3A_33, %get3A_34] {strides = array<i32>} : memref<5x128xf32, #tpu.memory_space<vmem>>, vector<1x16xf32>,
      %get3A_36 = vector.shape_cast %get3A_35 : vector<1x16xf32> to vector<16xf32>
      %add3A_37 = arith.addf %add3A_31, %get3A_36 : vector<16xf32>
      %get3A_38 = arith.constant 2 : i32
      %get3A_39 = arith.index_cast %get3A_38 : i32 to index
      %get3A_40 = arith.index_cast %mul3A_10 : i32 to index
      %get3A_41 = tpu.vector_load %arg8[%get3A_39, %get3A_40] {strides = array<i32>} : memref<5x128xf32, #tpu.memory_space<vmem>>, vector<1x16xf32>,
      %get3A_42 = vector.shape_cast %get3A_41 : vector<1x16xf32> to vector<16xf32>
      %add3A_43 = arith.addf %add3A_37, %get3A_42 : vector<16xf32>
      %get3A_44 = arith.constant 3 : i32
      %get3A_45 = arith.index_cast %get3A_44 : i32 to index
      %get3A_46 = arith.index_cast %mul3A_10 : i32 to index
      %get3A_47 = tpu.vector_load %arg7[%get3A_45, %get3A_46] {strides = array<i32>} : memref<5x128xf32, #tpu.memory_space<vmem>>, vector<1x16xf32>,
      %get3A_48 = vector.shape_cast %get3A_47 : vector<1x16xf32> to vector<16xf32>
      %add3A_49 = arith.addf %add3A_43, %get3A_48 : vector<16xf32>
      %get3A_50 = arith.constant 3 : i32
      %get3A_51 = arith.index_cast %get3A_50 : i32 to index
      %get3A_52 = arith.index_cast %mul3A_10 : i32 to index
      %get3A_53 = tpu.vector_load %arg8[%get3A_51, %get3A_52] {strides = array<i32>} : memref<5x128xf32, #tpu.memory_space<vmem>>, vector<1x16xf32>,
      %get3A_54 = vector.shape_cast %get3A_53 : vector<1x16xf32> to vector<16xf32>
      %add3A_55 = arith.addf %add3A_49, %get3A_54 : vector<16xf32>
      %get3A_56 = arith.constant 4 : i32
      %get3A_57 = arith.index_cast %get3A_56 : i32 to index
      %get3A_58 = arith.index_cast %mul3A_10 : i32 to index
      %get3A_59 = tpu.vector_load %arg7[%get3A_57, %get3A_58] {strides = array<i32>} : memref<5x128xf32, #tpu.memory_space<vmem>>, vector<1x16xf32>,
      %get3A_60 = vector.shape_cast %get3A_59 : vector<1x16xf32> to vector<16xf32>
      %add3A_61 = arith.addf %add3A_55, %get3A_60 : vector<16xf32>
      %get3A_62 = arith.constant 4 : i32
      %get3A_63 = arith.index_cast %get3A_62 : i32 to index
      %get3A_64 = arith.index_cast %mul3A_10 : i32 to index
      %get3A_65 = tpu.vector_load %arg8[%get3A_63, %get3A_64] {strides = array<i32>} : memref<5x128xf32, #tpu.memory_space<vmem>>, vector<1x16xf32>,
      %get3A_66 = vector.shape_cast %get3A_65 : vector<1x16xf32> to vector<16xf32>
      %add3A_67 = arith.addf %add3A_61, %get3A_66 : vector<16xf32>
      %swap3A = arith.index_cast %mul3A_10 : i32 to index
      %swap3A_68 = tpu.vector_load %arg9[%swap3A] {strides = array<i32>} : memref<128xf32, #tpu.memory_space<vmem>>, vector<16xf32>,
      %swap3A_69 = vector.shape_cast %swap3A_68 : vector<16xf32> to vector<16xf32>
      %swap3A_70 = vector.shape_cast %add3A_67 : vector<16xf32> to vector<16xf32>
      tpu.vector_store %arg9[%swap3A], %swap3A_70 {strides = array<i32>} : memref<128xf32, #tpu.memory_space<vmem>>, vector<16xf32>,
    }
    %scan3A_8 = arith.constant 8 : i32
    "tpu.region"() ({
      %run_scoped3A = tpu.sem_alloc : memref<!tpu.dma_semaphore, #tpu.memory_space<semaphore_mem>>
      tpu.enqueue_dma source(%arg9 : memref<128xf32, #tpu.memory_space<vmem>>) target(%arg5 : memref<128xf32, #tpu.memory_space<hbm>>) target_semaphore(%run_scoped3A : memref<!tpu.dma_semaphore, #tpu.memory_space<semaphore_mem>>)
      tpu.wait_dma2 semaphore(%run_scoped3A : memref<!tpu.dma_semaphore, #tpu.memory_space<semaphore_mem>>) src(%arg9 : memref<128xf32, #tpu.memory_space<vmem>>) dst(%arg5 : memref<128xf32, #tpu.memory_space<hbm>>)
      tpu.yield
    }) : () -> ()
    return
  }
}

</mosaic_0001>

<sc_bundles>
// kernel: kernel.3.cloned.1.call-start
scs
__scs_entry_jumppad:
0x0: {  	(pc) =	sbr.rel $0x88, $3  }
0x1: {  	(tag) =	ssettag $0x0;
	lr =	simm.s32 $0x1  }
0x2: {  	[smem:$0x3F9E] =	sst lr;
	_ =	strace $0xD0000000  }
0x3: {  	_ = 	snop  }
0x4: {  	_ = 	snop  }
0x5: {  	_ = 	snop  }
0x6: {  	_ = 	snop  }
0x7: {  	_ = 	snop  }
__scs_overlays_trampoline_lowered:
0x8: {  	[smem:$0x3FAD] =	sst s0  }
0x9: {  	[smem:$0x3FAE] =	sst s1  }
0xa: {  	[smem:$0x3FAF] =	sst s2  }
0xb: {  	[smem:$0x3FB0] =	sst s3  }
0xc: {  	[smem:$0x3FB1] =	sst s4  }
0xd: {  	[smem:$0x3FB2] =	sst s5  }
0xe: {  	[smem:$0x3FB3] =	sst s6  }
0xf: {  	[smem:$0x3FB4] =	sst s7  }
0x10: {  	[smem:$0x3FB5] =	sst s8  }
0x11: {  	[smem:$0x3FB6] =	sst s9;
	s0 =	simm.s32 @!p0 $0x0  }
0x12: {  	s1 =	sld [smem:$0x3F9C];
	s0 =	simm.s32 @p0 $0x1  }
0x13: {  	[smem:$0x3FB7] =	sst s0;
	s0 =	simm.s32 @!p1 $0x0  }
0x14: {  	s2 =	sld [smem:$0x3F9B];
	s0 =	simm.s32 @p1 $0x1  }
0x15: {  	[smem:$0x3FB8] =	sst s0;
	s0 =	simm.s32 @!p2 $0x0  }
0x16: {  	s3 =	sld [smem:$0x3FDB];
	s0 =	simm.s32 @p2 $0x1  }
0x17: {  	s4 =	simm.s32 $0x1BF5;
	[smem:$0x3FBA] =	sst s0  }
0x18: {  	s0 =	sld [smem:$0x3F9D];
	_ =	swait.ge [sflag:s4], $0x0  }
0x19: {  	s7 =	sld [smem:$0x3F9E]  }
0x1a: {  	s8 =	sadd.s32 $0xFFFFE003, lr  }
0x1b: {  	s9 =	sadd.s32 $0xFFFFFEF7, lr;
	s5 =	simm.s32 $0xFFFFFFFF;
	p2 =	slt.u32 s8, $0xFFFFF086  }
0x1c: {  	p1 =	slt.u32 s9, $0xF7A;
	s5 =	simm.s32 @!p2 $0x0  }
0x1d: {  	s5 =	simm.s32 @p1 $0x1;
	p0 =	seq.s32 s7, s2  }
0x1e: {  	s7 =	smul.u32 @!p0 $0xF7A, s2;
	p2 =	seq.s32 @!p0 s5, $0x0  }
0x1f: {  	s9 =	smul.u32 $0xF7A, s1;
	s8 =	simm.s32 @!p0 $0x1BF5;
	p2 =	por !p2, p0  }
0x20: {  	[sflag:s8] =	ssyncset.s32 @!p0 $0xFFFFF086;
	s6 =	sadd.s32 @!p0 s3, s7;
	s7 =	simm.s32 @!p0 $0x108  }
0x21: {  	s3 =	sadd.s32 s3, s9;
	s6 =	sadd.s32 @!p0 $0x88, s6;
	s7 =	simm.s32 @p2 $0x1082  }
0x22: {  	[simem:s7], [sflag:s8] =	dma.local @!p0 [hbm:s6], $0xF7A  }
0x23: {  	s9 =	sor.u32 $0xD0000000, s2;
	s6 =	simm.s32 $0x108;
	_ =	swait.ge @!p0 [sflag:s8], $0x0  }
0x24: {  	s3 =	sadd.s32 $0x88, s3;
	s6 =	simm.s32 @!p1 $0x1082;
	[sflag:s4] =	ssyncset.s32 $0xFFFFF086  }
0x25: {  	[simem:s6], [sflag:s4] =	dma.local [hbm:s3], $0xF7A  }
0x26: {  	[smem:$0x3F9E] =	sst s1;
	(tag) =	ssettag s2;
	_ =	strace s9  }
0x27: {  	s1 =	sld [smem:$0x3FAE]  }
0x28: {  	s2 =	sld [smem:$0x3FAF]  }
0x29: {  	s4 =	sld [smem:$0x3FB1]  }
0x2a: {  	p0 =	seq.s32 s5, $0x0;
	s5 =	sld [smem:$0x3FB2]  }
0x2b: {  	s6 =	sld [smem:$0x3FB3]  }
0x2c: {  	s7 =	sld [smem:$0x3FB4]  }
0x2d: {  	s3 =	simm.s32 $0x108;
	s8 =	sld [smem:$0x3FB5]  }
0x2e: {  	s3 =	simm.s32 @!p0 $0x1082;
	s9 =	sld [smem:$0x3FB6]  }
0x2f: {  	lr =	sadd.s32 s0, s3;
	s0 =	sld [smem:$0x3FAD]  }
0x30: {  	s3 =	sld [smem:$0x3FB0]  }
0x31: {  	[smem:$0x3FB9] =	sst s10  }
0x32: {  	s10 =	sld [smem:$0x3FB7];
	_ =	sdelay $0x3  }
0x33: {  	p0 =	seq.s32 s10, $0x1;
	s10 =	sld [smem:$0x3FB9];
	_ =	sdelay $0x3  }
0x34: {  	[smem:$0x3FB9] =	sst s10  }
0x35: {  	s10 =	sld [smem:$0x3FB8];
	_ =	sdelay $0x3  }
0x36: {  	p1 =	seq.s32 s10, $0x1;
	s10 =	sld [smem:$0x3FB9];
	_ =	sdelay $0x3  }
0x37: {  	[smem:$0x3FB9] =	sst s10  }
0x38: {  	s10 =	sld [smem:$0x3FBA]  }
0x39: {  	_ = 	snop;
	(pc) =	sbr.ind lr, $3  }
0x3a: {  	_ = 	snop  }
0x3b: {  	_ = 	snop  }
0x3c: {  	p2 =	seq.s32 s10, $0x1;
	s10 =	sld [smem:$0x3FB9]  }
0x3d: {  	_ =	shalt  }
0x3e: {  	_ =	shalt  }
0x3f: {  	_ =	shalt  }
0x40: {  	_ =	shalt  }
0x41: {  	_ =	shalt  }
0x42: {  	_ =	shalt  }
0x43: {  	_ =	shalt  }
0x44: {  	_ =	shalt  }
0x45: {  	_ =	shalt  }
0x46: {  	_ =	shalt  }
0x47: {  	_ =	shalt  }
0x48: {  	_ =	shalt  }
0x49: {  	_ =	shalt  }
0x4a: {  	_ =	shalt  }
0x4b: {  	_ =	shalt  }
0x4c: {  	_ =	shalt  }
0x4d: {  	_ =	shalt  }
0x4e: {  	_ =	shalt  }
0x4f: {  	_ =	shalt  }
0x50: {  	_ =	shalt  }
0x51: {  	_ =	shalt  }
0x52: {  	_ =	shalt  }
0x53: {  	_ =	shalt  }
0x54: {  	_ =	shalt  }
0x55: {  	_ =	shalt  }
0x56: {  	_ =	shalt  }
0x57: {  	_ =	shalt  }
0x58: {  	_ =	shalt  }
0x59: {  	_ =	shalt  }
0x5a: {  	_ =	shalt  }
0x5b: {  	_ =	shalt  }
0x5c: {  	_ =	shalt  }
0x5d: {  	_ =	shalt  }
0x5e: {  	_ =	shalt  }
0x5f: {  	_ =	shalt  }
0x60: {  	_ =	shalt  }
0x61: {  	_ =	shalt  }
0x62: {  	_ =	shalt  }
0x63: {  	_ =	shalt  }
0x64: {  	_ =	shalt  }
0x65: {  	_ =	shalt  }
0x66: {  	_ =	shalt  }
0x67: {  	_ =	shalt  }
0x68: {  	_ =	shalt  }
0x69: {  	_ =	shalt  }
0x6a: {  	_ =	shalt  }
0x6b: {  	_ =	shalt  }
0x6c: {  	_ =	shalt  }
0x6d: {  	_ =	shalt  }
0x6e: {  	_ =	shalt  }
0x6f: {  	_ =	shalt  }
0x70: {  	_ =	shalt  }
0x71: {  	_ =	shalt  }
0x72: {  	_ =	shalt  }
0x73: {  	_ =	shalt  }
0x74: {  	_ =	shalt  }
0x75: {  	_ =	shalt  }
0x76: {  	_ =	shalt  }
0x77: {  	_ =	shalt  }
0x78: {  	_ =	shalt  }
0x79: {  	_ =	shalt  }
0x7a: {  	_ =	shalt  }
0x7b: {  	_ =	shalt  }
0x7c: {  	_ =	shalt  }
0x7d: {  	_ =	shalt  }
0x7e: {  	_ =	shalt  }
0x7f: {  	_ =	shalt  }
0x80: {  	_ =	shalt  }
0x81: {  	_ =	shalt  }
0x82: {  	_ =	shalt  }
0x83: {  	_ =	shalt  }
0x84: {  	_ =	shalt  }
0x85: {  	_ =	shalt  }
0x86: {  	_ =	shalt  }
0x87: {  	_ =	shalt  }
.Lfunc_end0:
.L_simem_size_0:
called_computation_lowered:
.L_overlay_start_0:
0x88: {  	s0 =	sld [smem:$0x3FD9]  }
0x89: {  	s1 =	sld [smem:$0x3FFE];
	_ =	sdelay $0x3  }
0x8a: {  	s0 =	sadd.s32 s1, s0  }
0x8b: {  	[smem:$0x3FC5] =	sst s0  }
0x8c: {  	_ = 	snop  }
0x8d: {  	s0 =	sld [smem:$0x3FC9]  }
0x8e: {  	s17 =	sld [smem:$0x3FC8]  }
0x8f: {  	s2 =	sld [smem:$0x3FC7]  }
0x90: {  	s3 =	sld [smem:$0x3FD0];
	(tm) =	ssettm $0x1  }
0x91: {  	s4 =	sld [smem:$0x3FFB];
	_ =	sdelay $0x3  }
0x92: {  	_ =	strace s4  }
0x93: {  	s4 =	sld [smem:$0x3FFC];
	_ =	sdelay $0x3  }
0x94: {  	_ =	strace s4  }
0x95: {  	s4 =	sld [smem:$0x3FFD];
	_ =	sdelay $0x3  }
0x96: {  	_ =	strace s4  }
0x97: {  	_ =	strace $0x8FFFFFFF  }
0x98: {  	s18 =	sld [smem:$0x3FDB];
	_ =	sdelay $0x1  }
0x99: {  	s5 =	simm.s32 $_scs_section_size  }
0x9a: {  	s6 =	simm.s32 $_size__tile_overlayer_lowered;
	s7 =	simm.s32 $_tile_overlayer_lowered  }
0x9b: {  	s21 =	simm.s32 $0x1BFF;
	s20 =	sshll.u32 s7, $0x1;
	s4 =	sadd.s32 s5, s18  }
0x9c: {  	s8 =	simm.s32 $0x0;
	s19 =	sshll.u32 s6, $0x1;
	s6 =	sadd.s32 s20, s4  }
0x9d: {  	[timem:s8], [sflag:s21] =	dma.local [hbm:s6], s19  }
0x9e: {  	_ =	swait.ge [sflag:s21], s19  }
0x9f: {  	s5 =	ssub.s32 $0x0, s19;
	[sflag:s21] =	ssyncset.done $0x0  }
0xa0: {  	[sflag:s21] =	ssyncadd.s32 s5;
	_ =	sdelay $0x1  }
0xa1: {  	s22 =	simm.s32 $0x1B8B  }
0xa2: {  	_ =	swait.ge [sflag:s22], $0x1  }
0xa3: {  	[sflag:s22] =	ssyncset.done $0x0  }
0xa4: {  	s23 =	simm.s32 $0x1B8E;
	[sflag:s22] =	ssyncadd.s32 $0xFFFFFFFF  }
0xa5: {  	s24 =	simm.s32 $execute0_lowered;
	[smem:$0x3FD2] =	sst s23  }
0xa6: {  	s5 =	sshll.u32 s24, $0x1;
	_ =	strace $0x80000046;
	[dreg:$0x1] =	wrdreg $0xFFFFFFFF  }
0xa7: {  	s25 =	simm.s32 $_size_execute0_lowered;
	s4 =	sadd.s32 s4, s5;
	[dreg:$0x0] =	wrdreg $0x0  }
0xa8: {  	s5 =	sshll.u32 s25, $0x1;
	[dreg:$0x2] =	wrdreg s4  }
0xa9: {  	[dreg:$0x3] =	wrdreg s5  }
0xaa: {  	[dreg:$0x4] =	wrdreg $0xC0  }
0xab: {  	_ =	task [dreg:s8], $0x5FFFF  }
0xac: {  	[dreg:$0x1] =	wrdreg $0xFFFFFFFF  }
0xad: {  	[dreg:$0x0] =	wrdreg $0x60  }
0xae: {  	[dreg:$0x2] =	wrdreg s0  }
0xaf: {  	[dreg:$0x3] =	wrdreg s17  }
0xb0: {  	[dreg:$0x4] =	wrdreg s2  }
0xb1: {  	[dreg:$0x5] =	wrdreg s3  }
0xb2: {  	[dreg:$0x6] =	wrdreg $0x9  }
0xb3: {  	_ =	task.clear_ibuf [dreg:s8], $0x7FFFF;
	_ =	strace $0x90000046  }
0xb4: {  	s26 =	simm.s32 $0x9;
	_ =	strace $0x80000048  }
0xb5: {  	_ =	swait.ge [sflag:s26], $0x1  }
0xb6: {  	[sflag:s26] =	ssyncadd.s32 $0xFFFFFFFF  }
0xb7: {  	_ =	strace $0x90000048  }
0xb8: {  	_ =	sfence  }
0xb9: {  	s28 =	sld [smem:$0x0];
	_ =	sdelay $0x1  }
0xba: {  	s29 =	srdreg.scid  }
0xbb: {  	s30 =	sshll.u32 s29, $0xD;
	s31 =	sshrl.u32 s29, $0x2  }
0xbc: {  	s1 =	sand.u32 $0x1, s29;
	s2 =	sand.u32 $0x4000, s30;
	s0 =	sadd.s32 s31, s28  }
0xbd: {  	s1 =	sor.u32 s2, s1;
	s0 =	sshll.u32 s0, $0x11  }
0xbe: {  	s0 =	sor.u32 s0, s1  }
0xbf: {  	s0 =	sadd.s32 $0x8F2B, s0  }
0xc0: {  	[sflag:s0] =	ssyncadd.remote.s32 $0x1  }
0xc1: {  	_ =	sfence.sel $0xFFFF  }
0xc2: {  	[dreg:$0x0] =	wrdreg $0xFFFFFFFF;
	(pc) =	sbr.abs _section_cstart, $3  }
0xc3: {  	[dreg:$0x1] =	wrdreg $0xFFFFFFFF  }
0xc4: {  	_ =	task.clear_ibuf [dreg:s8], $0x2FFFF;
	_ =	strace $0x9FFFFFFF  }
0xc5: {  	(tm) =	ssettm $0x7FFFFFFF  }
tec
execute0_lowered:
.L_overlay_start_1:
0x0: {  	(tag) =	ssettag $0x1  }
0x1: {  	s2 =	stileid.u32  }
0x2: {  	p0 =	sne.s32 s2, $0x0  }
.Ltmp0:
0x3: {  	s3 =	rddreg [dreg:$0x0];
	(pc) =	sbr.rel @p0 .LBB2_2-.Ltmp0, $4  }
0x4: {  	s4 =	rddreg [dreg:$0x1]  }
0x5: {  	s5 =	rddreg [dreg:$0x2]  }
0x6: {  	s1 =	rddreg [dreg:$0x3]  }
0x7: {  	s0 =	rddreg [dreg:$0x4];
	_ =	strace $0x80000047  }
0x8: {  	s2 =	simm.s32 $0x0;
	s6 =	simm.s32 $0x480  }
0x9: {  	[tilespmem:s6], [sflag:$0x1] =	stream.linear.gather [hbm4b:s5+s2], $0x280, $0x38;
	[tilespmem:$0x900] =	vst v63  }
0xa: {  	s26 =	simm.s32 $0x2  }
0xb: {  	[tilespmem:s2], [sflag:$0x2] =	stream.linear.gather [hbm4b:s3+s2], $0x80, $0x38;
	[tilespmem:$0x900] =	vst v63  }
0xc: {  	_ =	swait.ge [sflag:s26], $0x80  }
0xd: {  	s28 =	simm.s32 $0x5;
	[sflag:s26] =	ssyncset.done $0x0  }
0xe: {  	s29 =	simm.s32 $0x80;
	s30 =	simm.s32 $0x1;
	[sflag:s26] =	ssyncadd.s32 $0xFFFFFF80  }
0xf: {  	[tilespmem:s29], [sflag:$0x1] =	stream.indirect.gather [hbm4b:s4+s28], $0x80, s2, s28, $0xb8;
	[tilespmem:$0x900] =	vst v63  }
0x10: {  	_ =	swait.ge [sflag:s30], $0x280  }
0x11: {  	[sflag:s30] =	ssyncset.done $0x0  }
0x12: {  	[sflag:s30] =	ssyncadd.s32 $0xFFFFFD80  }
0x13: {  	_ =	swait.ge [sflag:s30], $0x280  }
0x14: {  	[sflag:s30] =	ssyncset.done $0x0  }
0x15: {  	[sflag:s30] =	ssyncadd.s32 $0xFFFFFD80  }
0x16: {  	v0 =	vld [tilespmem:$0x80]  }
0x17: {  	v1 =	vld [tilespmem:$0x480]  }
0x18: {  	v2 =	vld [tilespmem:$0x100]  }
0x19: {  	v3 =	vld [tilespmem:$0x500]  }
0x1a: {  	v4 =	vld [tilespmem:$0x180]  }
0x1b: {  	v5 =	vld [tilespmem:$0x580]  }
0x1c: {  	v6 =	vld [tilespmem:$0x200]  }
0x1d: {  	v7 =	vld [tilespmem:$0x600]  }
0x1e: {  	v8 =	vld [tilespmem:$0x280]  }
0x1f: {  	v9 =	vld [tilespmem:$0x680]  }
0x20: {  	v10 =	vld [tilespmem:$0x90]  }
0x21: {  	v11 =	vld [tilespmem:$0x490]  }
0x22: {  	v12 =	vld [tilespmem:$0x110]  }
0x23: {  	v13 =	vld [tilespmem:$0x510]  }
0x24: {  	v14 =	vld [tilespmem:$0x190]  }
0x25: {  	v15 =	vld [tilespmem:$0x590]  }
0x26: {  	v16 =	vld [tilespmem:$0x210]  }
0x27: {  	v17 =	vld [tilespmem:$0x610]  }
0x28: {  	v18 =	vld [tilespmem:$0x290]  }
0x29: {  	v19 =	vld [tilespmem:$0x690]  }
0x2a: {  	v20 =	vld [tilespmem:$0xA0]  }
0x2b: {  	v21 =	vld [tilespmem:$0x4A0]  }
0x2c: {  	v22 =	vld [tilespmem:$0x120]  }
0x2d: {  	v23 =	vld [tilespmem:$0x520]  }
0x2e: {  	v24 =	vld [tilespmem:$0x1A0]  }
0x2f: {  	v25 =	vld [tilespmem:$0x5A0]  }
0x30: {  	v26 =	vld [tilespmem:$0x220]  }
0x31: {  	v27 =	vld [tilespmem:$0x620]  }
0x32: {  	v28 =	vld [tilespmem:$0x2A0]  }
0x33: {  	v29 =	vld [tilespmem:$0x6A0]  }
0x34: {  	v30 =	vld [tilespmem:$0xB0]  }
0x35: {  	v31 =	vld [tilespmem:$0x4B0]  }
0x36: {  	v32 =	vld [tilespmem:$0x130]  }
0x37: {  	v33 =	vld [tilespmem:$0x530]  }
0x38: {  	v34 =	vld [tilespmem:$0x1B0]  }
0x39: {  	v35 =	vld [tilespmem:$0x5B0]  }
0x3a: {  	v36 =	vld [tilespmem:$0x230]  }
0x3b: {  	v37 =	vld [tilespmem:$0x630]  }
0x3c: {  	v38 =	vld [tilespmem:$0x2B0]  }
0x3d: {  	v39 =	vld [tilespmem:$0x6B0]  }
0x3e: {  	v40 =	vld [tilespmem:$0xC0]  }
0x3f: {  	v41 =	vld [tilespmem:$0x4C0]  }
0x40: {  	v42 =	vld [tilespmem:$0x140]  }
0x41: {  	v43 =	vld [tilespmem:$0x540]  }
0x42: {  	v44 =	vld [tilespmem:$0x1C0]  }
0x43: {  	v45 =	vld [tilespmem:$0x5C0]  }
0x44: {  	v46 =	vld [tilespmem:$0x240]  }
0x45: {  	v57 =	vld [tilespmem:$0xD0]  }
0x46: {  	v58 =	vld [tilespmem:$0x4D0];
	v0 =	vadd.f32 v1, v0;
	v10 =	vadd.f32 v11, v10  }
0x47: {  	v59 =	vld [tilespmem:$0x150];
	v55 =	vadd.f32 v21, v20;
	v56 =	vadd.f32 v31, v30  }
0x48: {  	v60 =	vld [tilespmem:$0x550];
	v0 =	vadd.f32 v2, v0;
	v10 =	vadd.f32 v12, v10  }
0x49: {  	v61 =	vld [tilespmem:$0x1D0];
	v2 =	vadd.f32 v22, v55;
	v12 =	vadd.f32 v32, v56  }
0x4a: {  	v62 =	vld [tilespmem:$0x5D0];
	v0 =	vadd.f32 v3, v0;
	v10 =	vadd.f32 v13, v10  }
0x4b: {  	v63 =	vld [tilespmem:$0x250];
	v2 =	vadd.f32 v23, v2;
	v12 =	vadd.f32 v33, v12  }
0x4c: {  	v47 =	vld [tilespmem:$0x5E0];
	v3 =	vadd.f32 v58, v57;
	v0 =	vadd.f32 v4, v0  }
0x4d: {  	v48 =	vld [tilespmem:$0x5F0];
	v10 =	vadd.f32 v14, v10;
	v2 =	vadd.f32 v24, v2  }
0x4e: {  	v49 =	vld [tilespmem:$0x260];
	v12 =	vadd.f32 v34, v12;
	v3 =	vadd.f32 v59, v3  }
0x4f: {  	v51 =	vld [tilespmem:$0x270];
	v0 =	vadd.f32 v5, v0;
	v10 =	vadd.f32 v15, v10  }
0x50: {  	v52 =	vld [tilespmem:$0x660];
	v2 =	vadd.f32 v25, v2;
	v12 =	vadd.f32 v35, v12  }
0x51: {  	v53 =	vld [tilespmem:$0x670];
	v3 =	vadd.f32 v60, v3;
	v0 =	vadd.f32 v6, v0  }
0x52: {  	v31 =	vld [tilespmem:$0xE0];
	v10 =	vadd.f32 v16, v10;
	v2 =	vadd.f32 v26, v2  }
0x53: {  	v32 =	vld [tilespmem:$0x4E0];
	v12 =	vadd.f32 v36, v12;
	v36 =	vadd.f32 v41, v40  }
0x54: {  	v33 =	vld [tilespmem:$0xF0];
	v3 =	vadd.f32 v61, v3;
	v0 =	vadd.f32 v7, v0  }
0x55: {  	v34 =	vld [tilespmem:$0x4F0];
	v10 =	vadd.f32 v17, v10;
	v12 =	vadd.f32 v37, v12  }
0x56: {  	v35 =	vld [tilespmem:$0x160];
	v2 =	vadd.f32 v27, v2;
	v22 =	vadd.f32 v42, v36  }
0x57: {  	v37 =	vld [tilespmem:$0x170];
	v3 =	vadd.f32 v62, v3;
	v12 =	vadd.f32 v38, v12  }
0x58: {  	v0 =	vadd.f32 v8, v0;
	v10 =	vadd.f32 v18, v10;
	v38 =	vld [tilespmem:$0x560]  }
0x59: {  	v8 =	vadd.f32 v32, v31;
	v12 =	vadd.f32 v39, v12;
	v39 =	vld [tilespmem:$0x570]  }
0x5a: {  	v40 =	vld [tilespmem:$0x1E0];
	v0 =	vadd.f32 v9, v0;
	v9 =	vadd.f32 v34, v33  }
0x5b: {  	v42 =	vld [tilespmem:$0x1F0];
	v2 =	vadd.f32 v28, v2;
	v8 =	vadd.f32 v35, v8  }
0x5c: {  	v54 =	vld [tilespmem:$0x2E0];
	v41 =	vadd.f32 v43, v22;
	v43 =	vadd.f32 v37, v9  }
0x5d: {  	v1 =	vld [tilespmem:$0x640];
	v3 =	vadd.f32 v63, v3;
	v8 =	vadd.f32 v38, v8  }
0x5e: {  	v24 =	vld [tilespmem:$0x650];
	v18 =	vadd.f32 v44, v41;
	v4 =	vadd.f32 v39, v43  }
0x5f: {  	v11 =	vld [tilespmem:$0x2C0];
	v10 =	vadd.f32 v19, v10;
	v8 =	vadd.f32 v40, v8  }
0x60: {  	v25 =	vld [tilespmem:$0x2D0];
	v50 =	vadd.f32 v45, v18;
	v4 =	vadd.f32 v42, v4  }
0x61: {  	v20 =	vld [tilespmem:$0x6C0];
	v2 =	vadd.f32 v29, v2;
	v8 =	vadd.f32 v47, v8  }
0x62: {  	v30 =	vld [tilespmem:$0x6D0];
	v17 =	vadd.f32 v46, v50;
	v4 =	vadd.f32 v48, v4  }
0x63: {  	v55 =	vld [tilespmem:$0x2F0];
	v3 =	vadd.f32 v24, v3;
	v8 =	vadd.f32 v49, v8  }
0x64: {  	v56 =	vld [tilespmem:$0x6E0];
	v1 =	vadd.f32 v1, v17;
	v4 =	vadd.f32 v51, v4  }
0x65: {  	v59 =	vld [tilespmem:$0x6F0];
	[tilespmem:$0x880] =	vst v0;
	v3 =	vadd.f32 v25, v3;
	v58 =	vadd.f32 v52, v8  }
0x66: {  	[tilespmem:$0x890] =	vst v10;
	v57 =	vadd.f32 v11, v1;
	v4 =	vadd.f32 v53, v4  }
0x67: {  	[tilespmem:$0x8A0] =	vst v2;
	v60 =	vadd.f32 v30, v3;
	v1 =	vadd.f32 v54, v58  }
0x68: {  	[tilespmem:$0x8B0] =	vst v12;
	v0 =	vadd.f32 v20, v57;
	v61 =	vadd.f32 v55, v4  }
0x69: {  	[tilespmem:$0x8D0] =	vst v60;
	v62 =	vadd.f32 v56, v1  }
0x6a: {  	[tilespmem:$0x8C0] =	vst v0;
	v63 =	vadd.f32 v59, v61  }
0x6b: {  	[tilespmem:$0x8E0] =	vst v62  }
0x6c: {  	s31 =	simm.s32 $0x880;
	[tilespmem:$0x8F0] =	vst v63  }
0x6d: {  	[hbm4b:s1+s2] =	stream.linear.scatter [tilespmem:s31], [sflag:$0x2], $0x80, $0x38;
	[tilespmem:$0x900] =	vst v63  }
0x6e: {  	_ =	swait.ge [sflag:s26], $0x80  }
0x6f: {  	[sflag:s26] =	ssyncset.done $0x0  }
0x70: {  	[sflag:s26] =	ssyncadd.s32 $0xFFFFFF80  }
.LBB2_2:
0x71: {  	_ =	sfence.sel $0x180000  }
0x72: {  	[bflag:$0x0] =	sbarrier.arrive $0xFFFF  }
0x73: {  	_ =	strace $0x90000047  }
0x74: {  	s0 =	sadd.s32 @!p0 $0x100000, s0;
	[bflag:$0x2] =	sbarrier.arrive $0xFFFF  }
0x75: {  	[sflag:s0] =	ssyncadd.tile.s32 @!p0 $0x1;
	_ =	shalt  }
.Lfunc_end2:
_tile_overlayer_lowered:
.L_overlay_start_2:
0x76: {  	(tag) =	ssettag $0x2  }
0x77: {  	s0 =	rddreg [dreg:$0x0];
	s2 =	stileid.u32  }
0x78: {  	s1 =	rddreg [dreg:$0x1];
	p0 =	sne.s32 s2, $0x0  }
0x79: {  	s3 =	rddreg [dreg:$0x2];
	[bflag:$0x3] =	sbarrier.arrive $0xFFFF;
	s2 =	simm.s32 @!p0 $0x1C02  }
0x7a: {  	[timem:s3], [sflag:s2] =	dma.local @!p0 [hbm:s0], s1  }
0x7b: {  	s0 =	simm.s32 @!p0 $0x2  }
0x7c: {  	_ =	swait.ge @!p0 [sflag:s0], s1  }
0x7d: {  	s1 =	ssub.s32 @!p0 $0x0, s1;
	[sflag:s0] =	ssyncset.done @!p0 $0x0  }
0x7e: {  	[sflag:s0] =	ssyncadd.s32 @!p0 s1  }
0x7f: {  	[bflag:$0x3] =	sbarrier.arrive $0xFFFF  }
0x80: {  	_ =	shalt  }

</sc_bundles>
